<compile_context>
chip_gen: v7x
topology: tpu7x:2x2x1
jax: 0.10.2.dev20260603
libtpu: 0.0.44.dev20260713+nightly
codegen_flags: <defaults>
</compile_context>

<pallas_src>
import functools

import jax
import jax.numpy as jnp
from jax import lax
from jax.experimental import pallas as pl
from jax.experimental.pallas import tpu as pltpu
from jax.experimental.pallas import tpu_sc as plsc


def kernel(input_ids, weight):
    seq_len = input_ids.shape[1]
    dim = weight.shape[1]

    info = plsc.get_sparse_core_info()
    num_cores, num_subcores = info.num_cores, info.num_subcores
    num_workers = num_cores * num_subcores
    rows_per_worker = seq_len // num_workers

    mesh = plsc.VectorSubcoreMesh(core_axis_name="c", subcore_axis_name="s")

    chunk_rows = (8, 16, 24, 32, 40, 8)
    chunk_buf = (0, 1, 2, 3, 4, 0)
    buf_rows = (8, 16, 24, 32, 40)
    assert sum(chunk_rows) == rows_per_worker
    n_chunks = len(chunk_rows)
    n_bufs = len(buf_rows)

    @functools.partial(
        pl.kernel,
        mesh=mesh,
        out_type=jax.ShapeDtypeStruct((seq_len, dim), weight.dtype),
        scratch_types=(
            [pltpu.VMEM((r, dim), jnp.float32) for r in buf_rows]
            + [pltpu.SemaphoreType.DMA] * (2 * n_bufs)
        ),
    )
    def positional_rows_copy(table_hbm, out_hbm, *scratch):
        bufs = scratch[:n_bufs]
        lsems = scratch[n_bufs : 2 * n_bufs]
        ssems = scratch[2 * n_bufs :]
        wid = lax.axis_index("s") * num_cores + lax.axis_index("c")
        base = wid * rows_per_worker
        offs = []
        o = 0
        for r in chunk_rows:
            offs.append(o)
            o += r
        loads = [
            pltpu.make_async_copy(
                table_hbm.at[pl.ds(base + offs[i], chunk_rows[i])],
                bufs[chunk_buf[i]],
                lsems[chunk_buf[i]],
            )
            for i in range(n_chunks)
        ]
        stores = [
            pltpu.make_async_copy(
                bufs[chunk_buf[i]],
                out_hbm.at[pl.ds(base + offs[i], chunk_rows[i])],
                ssems[chunk_buf[i]],
            )
            for i in range(n_chunks)
        ]
        for i in range(n_bufs):
            loads[i].start()
        loads[0].wait()
        stores[0].start()
        loads[1].wait()
        stores[1].start()
        stores[0].wait()
        loads[5].start()
        loads[2].wait()
        stores[2].start()
        loads[3].wait()
        stores[3].start()
        loads[4].wait()
        stores[4].start()
        loads[5].wait()
        stores[5].start()
        stores[1].wait()
        stores[2].wait()
        stores[3].wait()
        stores[4].wait()
        stores[5].wait()

    return positional_rows_copy(weight)

# --- scband reference (transcript-rebuilt; emitter-appended) ---
"""Pipeline reference for scband-bart-learned-positional-embedding-74637941669937 (READ-ONLY COPY).

The authoritative reference and input builder live on the scoring server;
editing this copy changes nothing except your own understanding.
"""

import jax, jax.numpy as jnp
import numpy as np

NUM_EMBEDDINGS = 4096
EMBEDDING_DIM = 1024
BATCH = 4
SEQ_LEN = 4096

def setup_inputs(seed: int = 0) -> dict:
    key = jax.random.key(seed)
    k1, k2 = jax.random.split(key)
    input_ids = jax.random.randint(k1, (BATCH, SEQ_LEN), 0, 50265, dtype=jnp.int64 if jax.config.jax_enable_x64 else jnp.int32)
    weight = jax.random.normal(k2, (NUM_EMBEDDINGS, EMBEDDING_DIM), dtype=jnp.float32) * 0.02
    return {"input_ids": input_ids, "weight": weight}

def reference(input_ids, weight):
    # BartLearnedPositionalEmbedding.forward with past_key_values_length=0, position_ids=None
    seq_len = input_ids.shape[1]
    position_ids = jnp.arange(0, seq_len, dtype=jnp.int32)
    return jnp.take(weight, position_ids, axis=0)

if __name__ == "__main__":
    import jax
    _d = setup_inputs()
    print(jax.jit(kernel)(*tuple(_d.values())))

</pallas_src>

<mosaic_0001>
#map = affine_map<(d0, d1) -> (0, 0)>
module attributes {stable_mosaic.version = 14 : i64} {
  func.func @positional_rows_copy(%arg0: i32, %arg1: i32, %arg2: memref<4096x1024xf32, #tpu.memory_space<hbm>>, %arg3: memref<4096x1024xf32, #tpu.memory_space<hbm>>, %arg4: memref<8x1024xf32, #tpu.memory_space<vmem>>, %arg5: memref<16x1024xf32, #tpu.memory_space<vmem>>, %arg6: memref<24x1024xf32, #tpu.memory_space<vmem>>, %arg7: memref<32x1024xf32, #tpu.memory_space<vmem>>, %arg8: memref<40x1024xf32, #tpu.memory_space<vmem>>, %arg9: memref<!tpu.dma_semaphore, #tpu.memory_space<semaphore_mem>>, %arg10: memref<!tpu.dma_semaphore, #tpu.memory_space<semaphore_mem>>, %arg11: memref<!tpu.dma_semaphore, #tpu.memory_space<semaphore_mem>>, %arg12: memref<!tpu.dma_semaphore, #tpu.memory_space<semaphore_mem>>, %arg13: memref<!tpu.dma_semaphore, #tpu.memory_space<semaphore_mem>>, %arg14: memref<!tpu.dma_semaphore, #tpu.memory_space<semaphore_mem>>, %arg15: memref<!tpu.dma_semaphore, #tpu.memory_space<semaphore_mem>>, %arg16: memref<!tpu.dma_semaphore, #tpu.memory_space<semaphore_mem>>, %arg17: memref<!tpu.dma_semaphore, #tpu.memory_space<semaphore_mem>>, %arg18: memref<!tpu.dma_semaphore, #tpu.memory_space<semaphore_mem>>) attributes {dimension_semantics = [#tpu.dimension_semantics<core_parallel>, #tpu.dimension_semantics<subcore_parallel>], iteration_bounds = array<i64: 2, 16>, scalar_prefetch = 0 : i64, scratch_operands = 15 : i64, tpu.core_type = #tpu.core_type<sc_vector_subcore>, window_params = [{transform_indices = #map}, {transform_indices = #map}]} {
    %mul3A = arith.constant 2 : i32
    %mul3A_0 = arith.muli %arg1, %mul3A : i32
    %add3A = arith.addi %mul3A_0, %arg0 : i32
    %mul3A_1 = arith.constant 128 : i32
    %mul3A_2 = arith.muli %add3A, %mul3A_1 : i32
    %add3A_3 = arith.constant 0 : i32
    %add3A_4 = arith.addi %mul3A_2, %add3A_3 : i32
    %add3A_5 = arith.constant 8 : i32
    %add3A_6 = arith.addi %mul3A_2, %add3A_5 : i32
    %add3A_7 = arith.constant 24 : i32
    %add3A_8 = arith.addi %mul3A_2, %add3A_7 : i32
    %add3A_9 = arith.constant 48 : i32
    %add3A_10 = arith.addi %mul3A_2, %add3A_9 : i32
    %add3A_11 = arith.constant 80 : i32
    %add3A_12 = arith.addi %mul3A_2, %add3A_11 : i32
    %add3A_13 = arith.constant 120 : i32
    %add3A_14 = arith.addi %mul3A_2, %add3A_13 : i32
    %add3A_15 = arith.constant 0 : i32
    %add3A_16 = arith.addi %mul3A_2, %add3A_15 : i32
    %add3A_17 = arith.constant 8 : i32
    %add3A_18 = arith.addi %mul3A_2, %add3A_17 : i32
    %add3A_19 = arith.constant 24 : i32
    %add3A_20 = arith.addi %mul3A_2, %add3A_19 : i32
    %add3A_21 = arith.constant 48 : i32
    %add3A_22 = arith.addi %mul3A_2, %add3A_21 : i32
    %add3A_23 = arith.constant 80 : i32
    %add3A_24 = arith.addi %mul3A_2, %add3A_23 : i32
    %add3A_25 = arith.constant 120 : i32
    %add3A_26 = arith.addi %mul3A_2, %add3A_25 : i32
    %dma_start3A = arith.constant 0 : i32
    %dma_start3A_27 = tpu.memref_slice %arg2[%add3A_4, %dma_start3A] : memref<4096x1024xf32, #tpu.memory_space<hbm>> -> memref<8x1024xf32, #tpu.memory_space<hbm>>
    %dma_start3A_28 = arith.constant 0 : i32
    %dma_start3A_29 = tpu.memref_slice %arg2[%add3A_4, %dma_start3A_28] : memref<4096x1024xf32, #tpu.memory_space<hbm>> -> memref<8x1024xf32, #tpu.memory_space<hbm>>
    tpu.enqueue_dma source(%dma_start3A_29 : memref<8x1024xf32, #tpu.memory_space<hbm>>) target(%arg4 : memref<8x1024xf32, #tpu.memory_space<vmem>>) target_semaphore(%arg9 : memref<!tpu.dma_semaphore, #tpu.memory_space<semaphore_mem>>)
    %dma_start3A_30 = arith.constant 0 : i32
    %dma_start3A_31 = tpu.memref_slice %arg2[%add3A_6, %dma_start3A_30] : memref<4096x1024xf32, #tpu.memory_space<hbm>> -> memref<16x1024xf32, #tpu.memory_space<hbm>>
    %dma_start3A_32 = arith.constant 0 : i32
    %dma_start3A_33 = tpu.memref_slice %arg2[%add3A_6, %dma_start3A_32] : memref<4096x1024xf32, #tpu.memory_space<hbm>> -> memref<16x1024xf32, #tpu.memory_space<hbm>>
    tpu.enqueue_dma source(%dma_start3A_33 : memref<16x1024xf32, #tpu.memory_space<hbm>>) target(%arg5 : memref<16x1024xf32, #tpu.memory_space<vmem>>) target_semaphore(%arg10 : memref<!tpu.dma_semaphore, #tpu.memory_space<semaphore_mem>>)
    %dma_start3A_34 = arith.constant 0 : i32
    %dma_start3A_35 = tpu.memref_slice %arg2[%add3A_8, %dma_start3A_34] : memref<4096x1024xf32, #tpu.memory_space<hbm>> -> memref<24x1024xf32, #tpu.memory_space<hbm>>
    %dma_start3A_36 = arith.constant 0 : i32
    %dma_start3A_37 = tpu.memref_slice %arg2[%add3A_8, %dma_start3A_36] : memref<4096x1024xf32, #tpu.memory_space<hbm>> -> memref<24x1024xf32, #tpu.memory_space<hbm>>
    tpu.enqueue_dma source(%dma_start3A_37 : memref<24x1024xf32, #tpu.memory_space<hbm>>) target(%arg6 : memref<24x1024xf32, #tpu.memory_space<vmem>>) target_semaphore(%arg11 : memref<!tpu.dma_semaphore, #tpu.memory_space<semaphore_mem>>)
    %dma_start3A_38 = arith.constant 0 : i32
    %dma_start3A_39 = tpu.memref_slice %arg2[%add3A_10, %dma_start3A_38] : memref<4096x1024xf32, #tpu.memory_space<hbm>> -> memref<32x1024xf32, #tpu.memory_space<hbm>>
    %dma_start3A_40 = arith.constant 0 : i32
    %dma_start3A_41 = tpu.memref_slice %arg2[%add3A_10, %dma_start3A_40] : memref<4096x1024xf32, #tpu.memory_space<hbm>> -> memref<32x1024xf32, #tpu.memory_space<hbm>>
    tpu.enqueue_dma source(%dma_start3A_41 : memref<32x1024xf32, #tpu.memory_space<hbm>>) target(%arg7 : memref<32x1024xf32, #tpu.memory_space<vmem>>) target_semaphore(%arg12 : memref<!tpu.dma_semaphore, #tpu.memory_space<semaphore_mem>>)
    %dma_start3A_42 = arith.constant 0 : i32
    %dma_start3A_43 = tpu.memref_slice %arg2[%add3A_12, %dma_start3A_42] : memref<4096x1024xf32, #tpu.memory_space<hbm>> -> memref<40x1024xf32, #tpu.memory_space<hbm>>
    %dma_start3A_44 = arith.constant 0 : i32
    %dma_start3A_45 = tpu.memref_slice %arg2[%add3A_12, %dma_start3A_44] : memref<4096x1024xf32, #tpu.memory_space<hbm>> -> memref<40x1024xf32, #tpu.memory_space<hbm>>
    tpu.enqueue_dma source(%dma_start3A_45 : memref<40x1024xf32, #tpu.memory_space<hbm>>) target(%arg8 : memref<40x1024xf32, #tpu.memory_space<vmem>>) target_semaphore(%arg13 : memref<!tpu.dma_semaphore, #tpu.memory_space<semaphore_mem>>)
    %dma_wait3A = arith.constant 0 : i32
    %dma_wait3A_46 = tpu.memref_slice %arg2[%add3A_4, %dma_wait3A] : memref<4096x1024xf32, #tpu.memory_space<hbm>> -> memref<8x1024xf32, #tpu.memory_space<hbm>>
    %dma_wait3A_47 = arith.constant 0 : i32
    %dma_wait3A_48 = tpu.memref_slice %arg2[%add3A_4, %dma_wait3A_47] : memref<4096x1024xf32, #tpu.memory_space<hbm>> -> memref<8x1024xf32, #tpu.memory_space<hbm>>
    tpu.wait_dma2 semaphore(%arg9 : memref<!tpu.dma_semaphore, #tpu.memory_space<semaphore_mem>>) src(%dma_wait3A_48 : memref<8x1024xf32, #tpu.memory_space<hbm>>) dst(%arg4 : memref<8x1024xf32, #tpu.memory_space<vmem>>)
    %dma_start3A_49 = arith.constant 0 : i32
    %dma_start3A_50 = tpu.memref_slice %arg3[%add3A_16, %dma_start3A_49] : memref<4096x1024xf32, #tpu.memory_space<hbm>> -> memref<8x1024xf32, #tpu.memory_space<hbm>>
    %dma_start3A_51 = arith.constant 0 : i32
    %dma_start3A_52 = tpu.memref_slice %arg3[%add3A_16, %dma_start3A_51] : memref<4096x1024xf32, #tpu.memory_space<hbm>> -> memref<8x1024xf32, #tpu.memory_space<hbm>>
    tpu.enqueue_dma source(%arg4 : memref<8x1024xf32, #tpu.memory_space<vmem>>) target(%dma_start3A_52 : memref<8x1024xf32, #tpu.memory_space<hbm>>) target_semaphore(%arg14 : memref<!tpu.dma_semaphore, #tpu.memory_space<semaphore_mem>>)
    %dma_wait3A_53 = arith.constant 0 : i32
    %dma_wait3A_54 = tpu.memref_slice %arg2[%add3A_6, %dma_wait3A_53] : memref<4096x1024xf32, #tpu.memory_space<hbm>> -> memref<16x1024xf32, #tpu.memory_space<hbm>>
    %dma_wait3A_55 = arith.constant 0 : i32
    %dma_wait3A_56 = tpu.memref_slice %arg2[%add3A_6, %dma_wait3A_55] : memref<4096x1024xf32, #tpu.memory_space<hbm>> -> memref<16x1024xf32, #tpu.memory_space<hbm>>
    tpu.wait_dma2 semaphore(%arg10 : memref<!tpu.dma_semaphore, #tpu.memory_space<semaphore_mem>>) src(%dma_wait3A_56 : memref<16x1024xf32, #tpu.memory_space<hbm>>) dst(%arg5 : memref<16x1024xf32, #tpu.memory_space<vmem>>)
    %dma_start3A_57 = arith.constant 0 : i32
    %dma_start3A_58 = tpu.memref_slice %arg3[%add3A_18, %dma_start3A_57] : memref<4096x1024xf32, #tpu.memory_space<hbm>> -> memref<16x1024xf32, #tpu.memory_space<hbm>>
    %dma_start3A_59 = arith.constant 0 : i32
    %dma_start3A_60 = tpu.memref_slice %arg3[%add3A_18, %dma_start3A_59] : memref<4096x1024xf32, #tpu.memory_space<hbm>> -> memref<16x1024xf32, #tpu.memory_space<hbm>>
    tpu.enqueue_dma source(%arg5 : memref<16x1024xf32, #tpu.memory_space<vmem>>) target(%dma_start3A_60 : memref<16x1024xf32, #tpu.memory_space<hbm>>) target_semaphore(%arg15 : memref<!tpu.dma_semaphore, #tpu.memory_space<semaphore_mem>>)
    %dma_wait3A_61 = arith.constant 0 : i32
    %dma_wait3A_62 = tpu.memref_slice %arg3[%add3A_16, %dma_wait3A_61] : memref<4096x1024xf32, #tpu.memory_space<hbm>> -> memref<8x1024xf32, #tpu.memory_space<hbm>>
    %dma_wait3A_63 = arith.constant 0 : i32
    %dma_wait3A_64 = tpu.memref_slice %arg3[%add3A_16, %dma_wait3A_63] : memref<4096x1024xf32, #tpu.memory_space<hbm>> -> memref<8x1024xf32, #tpu.memory_space<hbm>>
    tpu.wait_dma2 semaphore(%arg14 : memref<!tpu.dma_semaphore, #tpu.memory_space<semaphore_mem>>) src(%arg4 : memref<8x1024xf32, #tpu.memory_space<vmem>>) dst(%dma_wait3A_64 : memref<8x1024xf32, #tpu.memory_space<hbm>>)
    %dma_start3A_65 = arith.constant 0 : i32
    %dma_start3A_66 = tpu.memref_slice %arg2[%add3A_14, %dma_start3A_65] : memref<4096x1024xf32, #tpu.memory_space<hbm>> -> memref<8x1024xf32, #tpu.memory_space<hbm>>
    %dma_start3A_67 = arith.constant 0 : i32
    %dma_start3A_68 = tpu.memref_slice %arg2[%add3A_14, %dma_start3A_67] : memref<4096x1024xf32, #tpu.memory_space<hbm>> -> memref<8x1024xf32, #tpu.memory_space<hbm>>
    tpu.enqueue_dma source(%dma_start3A_68 : memref<8x1024xf32, #tpu.memory_space<hbm>>) target(%arg4 : memref<8x1024xf32, #tpu.memory_space<vmem>>) target_semaphore(%arg9 : memref<!tpu.dma_semaphore, #tpu.memory_space<semaphore_mem>>)
    %dma_wait3A_69 = arith.constant 0 : i32
    %dma_wait3A_70 = tpu.memref_slice %arg2[%add3A_8, %dma_wait3A_69] : memref<4096x1024xf32, #tpu.memory_space<hbm>> -> memref<24x1024xf32, #tpu.memory_space<hbm>>
    %dma_wait3A_71 = arith.constant 0 : i32
    %dma_wait3A_72 = tpu.memref_slice %arg2[%add3A_8, %dma_wait3A_71] : memref<4096x1024xf32, #tpu.memory_space<hbm>> -> memref<24x1024xf32, #tpu.memory_space<hbm>>
    tpu.wait_dma2 semaphore(%arg11 : memref<!tpu.dma_semaphore, #tpu.memory_space<semaphore_mem>>) src(%dma_wait3A_72 : memref<24x1024xf32, #tpu.memory_space<hbm>>) dst(%arg6 : memref<24x1024xf32, #tpu.memory_space<vmem>>)
    %dma_start3A_73 = arith.constant 0 : i32
    %dma_start3A_74 = tpu.memref_slice %arg3[%add3A_20, %dma_start3A_73] : memref<4096x1024xf32, #tpu.memory_space<hbm>> -> memref<24x1024xf32, #tpu.memory_space<hbm>>
    %dma_start3A_75 = arith.constant 0 : i32
    %dma_start3A_76 = tpu.memref_slice %arg3[%add3A_20, %dma_start3A_75] : memref<4096x1024xf32, #tpu.memory_space<hbm>> -> memref<24x1024xf32, #tpu.memory_space<hbm>>
    tpu.enqueue_dma source(%arg6 : memref<24x1024xf32, #tpu.memory_space<vmem>>) target(%dma_start3A_76 : memref<24x1024xf32, #tpu.memory_space<hbm>>) target_semaphore(%arg16 : memref<!tpu.dma_semaphore, #tpu.memory_space<semaphore_mem>>)
    %dma_wait3A_77 = arith.constant 0 : i32
    %dma_wait3A_78 = tpu.memref_slice %arg2[%add3A_10, %dma_wait3A_77] : memref<4096x1024xf32, #tpu.memory_space<hbm>> -> memref<32x1024xf32, #tpu.memory_space<hbm>>
    %dma_wait3A_79 = arith.constant 0 : i32
    %dma_wait3A_80 = tpu.memref_slice %arg2[%add3A_10, %dma_wait3A_79] : memref<4096x1024xf32, #tpu.memory_space<hbm>> -> memref<32x1024xf32, #tpu.memory_space<hbm>>
    tpu.wait_dma2 semaphore(%arg12 : memref<!tpu.dma_semaphore, #tpu.memory_space<semaphore_mem>>) src(%dma_wait3A_80 : memref<32x1024xf32, #tpu.memory_space<hbm>>) dst(%arg7 : memref<32x1024xf32, #tpu.memory_space<vmem>>)
    %dma_start3A_81 = arith.constant 0 : i32
    %dma_start3A_82 = tpu.memref_slice %arg3[%add3A_22, %dma_start3A_81] : memref<4096x1024xf32, #tpu.memory_space<hbm>> -> memref<32x1024xf32, #tpu.memory_space<hbm>>
    %dma_start3A_83 = arith.constant 0 : i32
    %dma_start3A_84 = tpu.memref_slice %arg3[%add3A_22, %dma_start3A_83] : memref<4096x1024xf32, #tpu.memory_space<hbm>> -> memref<32x1024xf32, #tpu.memory_space<hbm>>
    tpu.enqueue_dma source(%arg7 : memref<32x1024xf32, #tpu.memory_space<vmem>>) target(%dma_start3A_84 : memref<32x1024xf32, #tpu.memory_space<hbm>>) target_semaphore(%arg17 : memref<!tpu.dma_semaphore, #tpu.memory_space<semaphore_mem>>)
    %dma_wait3A_85 = arith.constant 0 : i32
    %dma_wait3A_86 = tpu.memref_slice %arg2[%add3A_12, %dma_wait3A_85] : memref<4096x1024xf32, #tpu.memory_space<hbm>> -> memref<40x1024xf32, #tpu.memory_space<hbm>>
    %dma_wait3A_87 = arith.constant 0 : i32
    %dma_wait3A_88 = tpu.memref_slice %arg2[%add3A_12, %dma_wait3A_87] : memref<4096x1024xf32, #tpu.memory_space<hbm>> -> memref<40x1024xf32, #tpu.memory_space<hbm>>
    tpu.wait_dma2 semaphore(%arg13 : memref<!tpu.dma_semaphore, #tpu.memory_space<semaphore_mem>>) src(%dma_wait3A_88 : memref<40x1024xf32, #tpu.memory_space<hbm>>) dst(%arg8 : memref<40x1024xf32, #tpu.memory_space<vmem>>)
    %dma_start3A_89 = arith.constant 0 : i32
    %dma_start3A_90 = tpu.memref_slice %arg3[%add3A_24, %dma_start3A_89] : memref<4096x1024xf32, #tpu.memory_space<hbm>> -> memref<40x1024xf32, #tpu.memory_space<hbm>>
    %dma_start3A_91 = arith.constant 0 : i32
    %dma_start3A_92 = tpu.memref_slice %arg3[%add3A_24, %dma_start3A_91] : memref<4096x1024xf32, #tpu.memory_space<hbm>> -> memref<40x1024xf32, #tpu.memory_space<hbm>>
    tpu.enqueue_dma source(%arg8 : memref<40x1024xf32, #tpu.memory_space<vmem>>) target(%dma_start3A_92 : memref<40x1024xf32, #tpu.memory_space<hbm>>) target_semaphore(%arg18 : memref<!tpu.dma_semaphore, #tpu.memory_space<semaphore_mem>>)
    %dma_wait3A_93 = arith.constant 0 : i32
    %dma_wait3A_94 = tpu.memref_slice %arg2[%add3A_14, %dma_wait3A_93] : memref<4096x1024xf32, #tpu.memory_space<hbm>> -> memref<8x1024xf32, #tpu.memory_space<hbm>>
    %dma_wait3A_95 = arith.constant 0 : i32
    %dma_wait3A_96 = tpu.memref_slice %arg2[%add3A_14, %dma_wait3A_95] : memref<4096x1024xf32, #tpu.memory_space<hbm>> -> memref<8x1024xf32, #tpu.memory_space<hbm>>
    tpu.wait_dma2 semaphore(%arg9 : memref<!tpu.dma_semaphore, #tpu.memory_space<semaphore_mem>>) src(%dma_wait3A_96 : memref<8x1024xf32, #tpu.memory_space<hbm>>) dst(%arg4 : memref<8x1024xf32, #tpu.memory_space<vmem>>)
    %dma_start3A_97 = arith.constant 0 : i32
    %dma_start3A_98 = tpu.memref_slice %arg3[%add3A_26, %dma_start3A_97] : memref<4096x1024xf32, #tpu.memory_space<hbm>> -> memref<8x1024xf32, #tpu.memory_space<hbm>>
    %dma_start3A_99 = arith.constant 0 : i32
    %dma_start3A_100 = tpu.memref_slice %arg3[%add3A_26, %dma_start3A_99] : memref<4096x1024xf32, #tpu.memory_space<hbm>> -> memref<8x1024xf32, #tpu.memory_space<hbm>>
    tpu.enqueue_dma source(%arg4 : memref<8x1024xf32, #tpu.memory_space<vmem>>) target(%dma_start3A_100 : memref<8x1024xf32, #tpu.memory_space<hbm>>) target_semaphore(%arg14 : memref<!tpu.dma_semaphore, #tpu.memory_space<semaphore_mem>>)
    %dma_wait3A_101 = arith.constant 0 : i32
    %dma_wait3A_102 = tpu.memref_slice %arg3[%add3A_18, %dma_wait3A_101] : memref<4096x1024xf32, #tpu.memory_space<hbm>> -> memref<16x1024xf32, #tpu.memory_space<hbm>>
    %dma_wait3A_103 = arith.constant 0 : i32
    %dma_wait3A_104 = tpu.memref_slice %arg3[%add3A_18, %dma_wait3A_103] : memref<4096x1024xf32, #tpu.memory_space<hbm>> -> memref<16x1024xf32, #tpu.memory_space<hbm>>
    tpu.wait_dma2 semaphore(%arg15 : memref<!tpu.dma_semaphore, #tpu.memory_space<semaphore_mem>>) src(%arg5 : memref<16x1024xf32, #tpu.memory_space<vmem>>) dst(%dma_wait3A_104 : memref<16x1024xf32, #tpu.memory_space<hbm>>)
    %dma_wait3A_105 = arith.constant 0 : i32
    %dma_wait3A_106 = tpu.memref_slice %arg3[%add3A_20, %dma_wait3A_105] : memref<4096x1024xf32, #tpu.memory_space<hbm>> -> memref<24x1024xf32, #tpu.memory_space<hbm>>
    %dma_wait3A_107 = arith.constant 0 : i32
    %dma_wait3A_108 = tpu.memref_slice %arg3[%add3A_20, %dma_wait3A_107] : memref<4096x1024xf32, #tpu.memory_space<hbm>> -> memref<24x1024xf32, #tpu.memory_space<hbm>>
    tpu.wait_dma2 semaphore(%arg16 : memref<!tpu.dma_semaphore, #tpu.memory_space<semaphore_mem>>) src(%arg6 : memref<24x1024xf32, #tpu.memory_space<vmem>>) dst(%dma_wait3A_108 : memref<24x1024xf32, #tpu.memory_space<hbm>>)
    %dma_wait3A_109 = arith.constant 0 : i32
    %dma_wait3A_110 = tpu.memref_slice %arg3[%add3A_22, %dma_wait3A_109] : memref<4096x1024xf32, #tpu.memory_space<hbm>> -> memref<32x1024xf32, #tpu.memory_space<hbm>>
    %dma_wait3A_111 = arith.constant 0 : i32
    %dma_wait3A_112 = tpu.memref_slice %arg3[%add3A_22, %dma_wait3A_111] : memref<4096x1024xf32, #tpu.memory_space<hbm>> -> memref<32x1024xf32, #tpu.memory_space<hbm>>
    tpu.wait_dma2 semaphore(%arg17 : memref<!tpu.dma_semaphore, #tpu.memory_space<semaphore_mem>>) src(%arg7 : memref<32x1024xf32, #tpu.memory_space<vmem>>) dst(%dma_wait3A_112 : memref<32x1024xf32, #tpu.memory_space<hbm>>)
    %dma_wait3A_113 = arith.constant 0 : i32
    %dma_wait3A_114 = tpu.memref_slice %arg3[%add3A_24, %dma_wait3A_113] : memref<4096x1024xf32, #tpu.memory_space<hbm>> -> memref<40x1024xf32, #tpu.memory_space<hbm>>
    %dma_wait3A_115 = arith.constant 0 : i32
    %dma_wait3A_116 = tpu.memref_slice %arg3[%add3A_24, %dma_wait3A_115] : memref<4096x1024xf32, #tpu.memory_space<hbm>> -> memref<40x1024xf32, #tpu.memory_space<hbm>>
    tpu.wait_dma2 semaphore(%arg18 : memref<!tpu.dma_semaphore, #tpu.memory_space<semaphore_mem>>) src(%arg8 : memref<40x1024xf32, #tpu.memory_space<vmem>>) dst(%dma_wait3A_116 : memref<40x1024xf32, #tpu.memory_space<hbm>>)
    %dma_wait3A_117 = arith.constant 0 : i32
    %dma_wait3A_118 = tpu.memref_slice %arg3[%add3A_26, %dma_wait3A_117] : memref<4096x1024xf32, #tpu.memory_space<hbm>> -> memref<8x1024xf32, #tpu.memory_space<hbm>>
    %dma_wait3A_119 = arith.constant 0 : i32
    %dma_wait3A_120 = tpu.memref_slice %arg3[%add3A_26, %dma_wait3A_119] : memref<4096x1024xf32, #tpu.memory_space<hbm>> -> memref<8x1024xf32, #tpu.memory_space<hbm>>
    tpu.wait_dma2 semaphore(%arg14 : memref<!tpu.dma_semaphore, #tpu.memory_space<semaphore_mem>>) src(%arg4 : memref<8x1024xf32, #tpu.memory_space<vmem>>) dst(%dma_wait3A_120 : memref<8x1024xf32, #tpu.memory_space<hbm>>)
    return
  }
}

</mosaic_0001>

<sc_bundles>
// kernel: kernel.3.cloned.1.call-start
scs
__scs_entry_jumppad:
0x0: {  	(pc) =	sbr.rel $0x88, $3  }
0x1: {  	(tag) =	ssettag $0x0;
	lr =	simm.s32 $0x1  }
0x2: {  	[smem:$0x3FA0] =	sst lr;
	_ =	strace $0xD0000000  }
0x3: {  	_ = 	snop  }
0x4: {  	_ = 	snop  }
0x5: {  	_ = 	snop  }
0x6: {  	_ = 	snop  }
0x7: {  	_ = 	snop  }
__scs_overlays_trampoline_lowered:
0x8: {  	[smem:$0x3FAF] =	sst s0  }
0x9: {  	[smem:$0x3FB0] =	sst s1  }
0xa: {  	[smem:$0x3FB1] =	sst s2  }
0xb: {  	[smem:$0x3FB2] =	sst s3  }
0xc: {  	[smem:$0x3FB3] =	sst s4  }
0xd: {  	[smem:$0x3FB4] =	sst s5  }
0xe: {  	[smem:$0x3FB5] =	sst s6  }
0xf: {  	[smem:$0x3FB6] =	sst s7  }
0x10: {  	[smem:$0x3FB7] =	sst s8  }
0x11: {  	[smem:$0x3FB8] =	sst s9;
	s0 =	simm.s32 @!p0 $0x0  }
0x12: {  	s1 =	sld [smem:$0x3F9E];
	s0 =	simm.s32 @p0 $0x1  }
0x13: {  	[smem:$0x3FB9] =	sst s0;
	s0 =	simm.s32 @!p1 $0x0  }
0x14: {  	s2 =	sld [smem:$0x3F9D];
	s0 =	simm.s32 @p1 $0x1  }
0x15: {  	[smem:$0x3FBA] =	sst s0;
	s0 =	simm.s32 @!p2 $0x0  }
0x16: {  	s3 =	sld [smem:$0x3FDB];
	s0 =	simm.s32 @p2 $0x1  }
0x17: {  	s4 =	simm.s32 $0x1BF5;
	[smem:$0x3FBC] =	sst s0  }
0x18: {  	s0 =	sld [smem:$0x3F9F];
	_ =	swait.ge [sflag:s4], $0x0  }
0x19: {  	s7 =	sld [smem:$0x3FA0]  }
0x1a: {  	s8 =	sadd.s32 $0xFFFFE003, lr  }
0x1b: {  	s9 =	sadd.s32 $0xFFFFFEF7, lr;
	s5 =	simm.s32 $0xFFFFFFFF;
	p2 =	slt.u32 s8, $0xFFFFF086  }
0x1c: {  	p1 =	slt.u32 s9, $0xF7A;
	s5 =	simm.s32 @!p2 $0x0  }
0x1d: {  	s5 =	simm.s32 @p1 $0x1;
	p0 =	seq.s32 s7, s2  }
0x1e: {  	s7 =	smul.u32 @!p0 $0xF7A, s2;
	p2 =	seq.s32 @!p0 s5, $0x0  }
0x1f: {  	s9 =	smul.u32 $0xF7A, s1;
	s8 =	simm.s32 @!p0 $0x1BF5;
	p2 =	por !p2, p0  }
0x20: {  	[sflag:s8] =	ssyncset.s32 @!p0 $0xFFFFF086;
	s6 =	sadd.s32 @!p0 s3, s7;
	s7 =	simm.s32 @!p0 $0x108  }
0x21: {  	s3 =	sadd.s32 s3, s9;
	s6 =	sadd.s32 @!p0 $0x88, s6;
	s7 =	simm.s32 @p2 $0x1082  }
0x22: {  	[simem:s7], [sflag:s8] =	dma.local @!p0 [hbm:s6], $0xF7A  }
0x23: {  	s9 =	sor.u32 $0xD0000000, s2;
	s6 =	simm.s32 $0x108;
	_ =	swait.ge @!p0 [sflag:s8], $0x0  }
0x24: {  	s3 =	sadd.s32 $0x88, s3;
	s6 =	simm.s32 @!p1 $0x1082;
	[sflag:s4] =	ssyncset.s32 $0xFFFFF086  }
0x25: {  	[simem:s6], [sflag:s4] =	dma.local [hbm:s3], $0xF7A  }
0x26: {  	[smem:$0x3FA0] =	sst s1;
	(tag) =	ssettag s2;
	_ =	strace s9  }
0x27: {  	s1 =	sld [smem:$0x3FB0]  }
0x28: {  	s2 =	sld [smem:$0x3FB1]  }
0x29: {  	s4 =	sld [smem:$0x3FB3]  }
0x2a: {  	p0 =	seq.s32 s5, $0x0;
	s5 =	sld [smem:$0x3FB4]  }
0x2b: {  	s6 =	sld [smem:$0x3FB5]  }
0x2c: {  	s7 =	sld [smem:$0x3FB6]  }
0x2d: {  	s3 =	simm.s32 $0x108;
	s8 =	sld [smem:$0x3FB7]  }
0x2e: {  	s3 =	simm.s32 @!p0 $0x1082;
	s9 =	sld [smem:$0x3FB8]  }
0x2f: {  	lr =	sadd.s32 s0, s3;
	s0 =	sld [smem:$0x3FAF]  }
0x30: {  	s3 =	sld [smem:$0x3FB2]  }
0x31: {  	[smem:$0x3FBB] =	sst s10  }
0x32: {  	s10 =	sld [smem:$0x3FB9];
	_ =	sdelay $0x3  }
0x33: {  	p0 =	seq.s32 s10, $0x1;
	s10 =	sld [smem:$0x3FBB];
	_ =	sdelay $0x3  }
0x34: {  	[smem:$0x3FBB] =	sst s10  }
0x35: {  	s10 =	sld [smem:$0x3FBA];
	_ =	sdelay $0x3  }
0x36: {  	p1 =	seq.s32 s10, $0x1;
	s10 =	sld [smem:$0x3FBB];
	_ =	sdelay $0x3  }
0x37: {  	[smem:$0x3FBB] =	sst s10  }
0x38: {  	s10 =	sld [smem:$0x3FBC]  }
0x39: {  	_ = 	snop;
	(pc) =	sbr.ind lr, $3  }
0x3a: {  	_ = 	snop  }
0x3b: {  	_ = 	snop  }
0x3c: {  	p2 =	seq.s32 s10, $0x1;
	s10 =	sld [smem:$0x3FBB]  }
0x3d: {  	_ =	shalt  }
0x3e: {  	_ =	shalt  }
0x3f: {  	_ =	shalt  }
0x40: {  	_ =	shalt  }
0x41: {  	_ =	shalt  }
0x42: {  	_ =	shalt  }
0x43: {  	_ =	shalt  }
0x44: {  	_ =	shalt  }
0x45: {  	_ =	shalt  }
0x46: {  	_ =	shalt  }
0x47: {  	_ =	shalt  }
0x48: {  	_ =	shalt  }
0x49: {  	_ =	shalt  }
0x4a: {  	_ =	shalt  }
0x4b: {  	_ =	shalt  }
0x4c: {  	_ =	shalt  }
0x4d: {  	_ =	shalt  }
0x4e: {  	_ =	shalt  }
0x4f: {  	_ =	shalt  }
0x50: {  	_ =	shalt  }
0x51: {  	_ =	shalt  }
0x52: {  	_ =	shalt  }
0x53: {  	_ =	shalt  }
0x54: {  	_ =	shalt  }
0x55: {  	_ =	shalt  }
0x56: {  	_ =	shalt  }
0x57: {  	_ =	shalt  }
0x58: {  	_ =	shalt  }
0x59: {  	_ =	shalt  }
0x5a: {  	_ =	shalt  }
0x5b: {  	_ =	shalt  }
0x5c: {  	_ =	shalt  }
0x5d: {  	_ =	shalt  }
0x5e: {  	_ =	shalt  }
0x5f: {  	_ =	shalt  }
0x60: {  	_ =	shalt  }
0x61: {  	_ =	shalt  }
0x62: {  	_ =	shalt  }
0x63: {  	_ =	shalt  }
0x64: {  	_ =	shalt  }
0x65: {  	_ =	shalt  }
0x66: {  	_ =	shalt  }
0x67: {  	_ =	shalt  }
0x68: {  	_ =	shalt  }
0x69: {  	_ =	shalt  }
0x6a: {  	_ =	shalt  }
0x6b: {  	_ =	shalt  }
0x6c: {  	_ =	shalt  }
0x6d: {  	_ =	shalt  }
0x6e: {  	_ =	shalt  }
0x6f: {  	_ =	shalt  }
0x70: {  	_ =	shalt  }
0x71: {  	_ =	shalt  }
0x72: {  	_ =	shalt  }
0x73: {  	_ =	shalt  }
0x74: {  	_ =	shalt  }
0x75: {  	_ =	shalt  }
0x76: {  	_ =	shalt  }
0x77: {  	_ =	shalt  }
0x78: {  	_ =	shalt  }
0x79: {  	_ =	shalt  }
0x7a: {  	_ =	shalt  }
0x7b: {  	_ =	shalt  }
0x7c: {  	_ =	shalt  }
0x7d: {  	_ =	shalt  }
0x7e: {  	_ =	shalt  }
0x7f: {  	_ =	shalt  }
0x80: {  	_ =	shalt  }
0x81: {  	_ =	shalt  }
0x82: {  	_ =	shalt  }
0x83: {  	_ =	shalt  }
0x84: {  	_ =	shalt  }
0x85: {  	_ =	shalt  }
0x86: {  	_ =	shalt  }
0x87: {  	_ =	shalt  }
.Lfunc_end0:
.L_simem_size_0:
called_computation_lowered:
.L_overlay_start_0:
0x88: {  	s2 =	sld [smem:$0x3FD9]  }
0x89: {  	s3 =	sld [smem:$0x3FFE];
	_ =	sdelay $0x1  }
0x8a: {  	s1 =	srdreg.scid  }
0x8b: {  	s0 =	sand.u32 $0x1, s1  }
0x8c: {  	s18 =	sshll.u32 s0, $0xA;
	s2 =	sadd.s32 s3, s2  }
0x8d: {  	s2 =	sadd.s32 s2, s18  }
0x8e: {  	[smem:$0x3FC7] =	sst s2  }
0x8f: {  	_ = 	snop  }
0x90: {  	s2 =	sld [smem:$0x3FC9]  }
0x91: {  	s19 =	sld [smem:$0x3FD0];
	(tm) =	ssettm $0x1  }
0x92: {  	s4 =	sld [smem:$0x3FFB];
	_ =	sdelay $0x3  }
0x93: {  	_ =	strace s4  }
0x94: {  	s4 =	sld [smem:$0x3FFC];
	_ =	sdelay $0x3  }
0x95: {  	_ =	strace s4  }
0x96: {  	s4 =	sld [smem:$0x3FFD];
	_ =	sdelay $0x3  }
0x97: {  	_ =	strace s4  }
0x98: {  	_ =	strace $0x8FFFFFFF  }
0x99: {  	s20 =	sld [smem:$0x3FDB];
	_ =	sdelay $0x1  }
0x9a: {  	s5 =	simm.s32 $_scs_section_size  }
0x9b: {  	s6 =	simm.s32 $_size__tile_overlayer_lowered;
	s7 =	simm.s32 $_tile_overlayer_lowered  }
0x9c: {  	s23 =	simm.s32 $0x1BFF;
	s22 =	sshll.u32 s7, $0x1;
	s4 =	sadd.s32 s5, s20  }
0x9d: {  	s8 =	simm.s32 $0x0;
	s21 =	sshll.u32 s6, $0x1;
	s6 =	sadd.s32 s22, s4  }
0x9e: {  	[timem:s8], [sflag:s23] =	dma.local [hbm:s6], s21  }
0x9f: {  	_ =	swait.ge [sflag:s23], s21  }
0xa0: {  	s5 =	ssub.s32 $0x0, s21;
	[sflag:s23] =	ssyncset.done $0x0  }
0xa1: {  	[sflag:s23] =	ssyncadd.s32 s5;
	_ =	sdelay $0x1  }
0xa2: {  	s24 =	simm.s32 $0x1B8B  }
0xa3: {  	_ =	swait.ge [sflag:s24], $0x1  }
0xa4: {  	[sflag:s24] =	ssyncset.done $0x0  }
0xa5: {  	s25 =	simm.s32 $0x1B8E;
	[sflag:s24] =	ssyncadd.s32 $0xFFFFFFFF  }
0xa6: {  	s26 =	simm.s32 $execute0_lowered;
	[smem:$0x3FD2] =	sst s25  }
0xa7: {  	s5 =	sshll.u32 s26, $0x1;
	_ =	strace $0x80000046;
	[dreg:$0x1] =	wrdreg $0xFFFFFFFF  }
0xa8: {  	s28 =	simm.s32 $_size_execute0_lowered;
	s4 =	sadd.s32 s4, s5;
	[dreg:$0x0] =	wrdreg $0x0  }
0xa9: {  	s5 =	sshll.u32 s28, $0x1;
	[dreg:$0x2] =	wrdreg s4  }
0xaa: {  	[dreg:$0x3] =	wrdreg s5  }
0xab: {  	[dreg:$0x4] =	wrdreg $0xC0  }
0xac: {  	_ =	task [dreg:s8], $0x5FFFF  }
0xad: {  	[dreg:$0x1] =	wrdreg $0xFFFFFFFF  }
0xae: {  	[dreg:$0x0] =	wrdreg $0x60  }
0xaf: {  	[dreg:$0x2] =	wrdreg s2  }
0xb0: {  	[dreg:$0x3] =	wrdreg s19  }
0xb1: {  	[dreg:$0x4] =	wrdreg $0x9  }
0xb2: {  	_ =	task.clear_ibuf [dreg:s8], $0x5FFFF;
	_ =	strace $0x90000046  }
0xb3: {  	s29 =	simm.s32 $0x9;
	_ =	strace $0x80000048  }
0xb4: {  	_ =	swait.ge [sflag:s29], $0x1  }
0xb5: {  	[sflag:s29] =	ssyncadd.s32 $0xFFFFFFFF  }
0xb6: {  	_ =	strace $0x90000048  }
0xb7: {  	_ =	sfence  }
0xb8: {  	s30 =	sld [smem:$0x0];
	_ =	sdelay $0x2  }
0xb9: {  	s31 =	sshll.u32 s1, $0xD;
	s1 =	sshrl.u32 s1, $0x2  }
0xba: {  	s3 =	sand.u32 $0x4000, s31;
	s1 =	sadd.s32 s1, s30  }
0xbb: {  	s0 =	sor.u32 s3, s0;
	s1 =	sshll.u32 s1, $0x11  }
0xbc: {  	s0 =	sor.u32 s1, s0  }
0xbd: {  	s0 =	sadd.s32 $0x8F2B, s0  }
0xbe: {  	[sflag:s0] =	ssyncadd.remote.s32 $0x1  }
0xbf: {  	_ =	sfence.sel $0xFFFF  }
0xc0: {  	[dreg:$0x0] =	wrdreg $0xFFFFFFFF;
	(pc) =	sbr.abs _section_cstart, $3  }
0xc1: {  	[dreg:$0x1] =	wrdreg $0xFFFFFFFF  }
0xc2: {  	_ =	task.clear_ibuf [dreg:s8], $0x2FFFF;
	_ =	strace $0x9FFFFFFF  }
0xc3: {  	(tm) =	ssettm $0x7FFFFFFF  }
tec
execute0_lowered:
.L_overlay_start_1:
0x0: {  	(tag) =	ssettag $0x1  }
0x1: {  	s17 =	rddreg [dreg:$0x0]  }
0x2: {  	s24 =	rddreg [dreg:$0x1];
	s2 =	srdreg.scid  }
0x3: {  	s0 =	rddreg [dreg:$0x2];
	s1 =	stileid.u32;
	s29 =	sand.u32 $0x1, s2  }
0x4: {  	s2 =	simm.s32 $0x0;
	s3 =	sshll.u32 s1, $0xF;
	s4 =	sshll.u32 s29, $0xE  }
0x5: {  	[smem:$0x7FF] =	sst s2;
	s18 =	sor.u32 s4, s3  }
0x6: {  	_ =	strace $0x80000047;
	s3 =	sadd.s32 s17, s18;
	s15 =	sor.u32 $0x400, s18  }
0x7: {  	[tilespmem:s2], [sflag:$0x1] =	stream.linear.gather [hbm4b:s3+s2], $0x2000, $0x38;
	[tilespmem:$0x1E000] =	vst v63  }
0x8: {  	s5 =	simm.s32 $0x2000;
	s19 =	sor.u32 $0xC00, s18;
	s4 =	sadd.s32 s17, s15  }
0x9: {  	[tilespmem:s5], [sflag:$0x2] =	stream.linear.gather [hbm4b:s4+s2], $0x4000, $0x38;
	[tilespmem:$0x1E000] =	vst v63  }
0xa: {  	s7 =	simm.s32 $0x6000;
	s21 =	sor.u32 $0x1800, s18;
	s6 =	sadd.s32 s17, s19  }
0xb: {  	[tilespmem:s7], [sflag:$0x3] =	stream.linear.gather [hbm4b:s6+s2], $0x6000, $0x38;
	[tilespmem:$0x1E000] =	vst v63  }
0xc: {  	s9 =	simm.s32 $0xC000;
	s23 =	sor.u32 $0x2800, s18;
	s8 =	sadd.s32 s17, s21  }
0xd: {  	[tilespmem:s9], [sflag:$0x4] =	stream.linear.gather [hbm4b:s8+s2], $0x8000, $0x38;
	[tilespmem:$0x1E000] =	vst v63  }
0xe: {  	s11 =	simm.s32 $0x14000;
	s12 =	simm.s32 $0x1;
	s10 =	sadd.s32 s17, s23  }
0xf: {  	[tilespmem:s11], [sflag:$0x5] =	stream.linear.gather [hbm4b:s10+s2], $0xA000, $0x38;
	[tilespmem:$0x1E000] =	vst v63  }
0x10: {  	_ =	swait.ge [sflag:s12], $0x2000  }
0x11: {  	[sflag:s12] =	ssyncset.done $0x0  }
0x12: {  	s14 =	simm.s32 $0x2;
	s13 =	sadd.s32 s24, s18;
	[sflag:s12] =	ssyncadd.s32 $0xFFFFE000  }
0x13: {  	[hbm4b:s13+s2] =	stream.linear.scatter [tilespmem:s2], [sflag:$0x6], $0x2000, $0x38;
	[tilespmem:$0x1E000] =	vst v63  }
0x14: {  	_ =	swait.ge [sflag:s14], $0x4000  }
0x15: {  	[sflag:s14] =	ssyncset.done $0x0  }
0x16: {  	s16 =	sadd.s32 s24, s15;
	s15 =	simm.s32 $0x6;
	[sflag:s14] =	ssyncadd.s32 $0xFFFFC000  }
0x17: {  	[hbm4b:s16+s2] =	stream.linear.scatter [tilespmem:s5], [sflag:$0x7], $0x4000, $0x38;
	[tilespmem:$0x1E000] =	vst v63  }
0x18: {  	_ =	swait.ge [sflag:s15], $0x2000  }
0x19: {  	s25 =	sor.u32 $0x3C00, s18;
	[sflag:s15] =	ssyncset.done $0x0  }
0x1a: {  	s18 =	simm.s32 $0x3;
	s17 =	sadd.s32 s17, s25;
	[sflag:s15] =	ssyncadd.s32 $0xFFFFE000  }
0x1b: {  	[tilespmem:s2], [sflag:$0x1] =	stream.linear.gather [hbm4b:s17+s2], $0x2000, $0x38;
	[tilespmem:$0x1E000] =	vst v63  }
0x1c: {  	_ =	swait.ge [sflag:s18], $0x6000  }
0x1d: {  	[sflag:s18] =	ssyncset.done $0x0  }
0x1e: {  	s20 =	simm.s32 $0x4;
	s19 =	sadd.s32 s24, s19;
	[sflag:s18] =	ssyncadd.s32 $0xFFFFA000  }
0x1f: {  	[hbm4b:s19+s2] =	stream.linear.scatter [tilespmem:s7], [sflag:$0x8], $0x6000, $0x38;
	[tilespmem:$0x1E000] =	vst v63  }
0x20: {  	_ =	swait.ge [sflag:s20], $0x8000  }
0x21: {  	[sflag:s20] =	ssyncset.done $0x0  }
0x22: {  	s22 =	simm.s32 $0x5;
	s21 =	sadd.s32 s24, s21;
	[sflag:s20] =	ssyncadd.s32 $0xFFFF8000  }
0x23: {  	[hbm4b:s21+s2] =	stream.linear.scatter [tilespmem:s9], [sflag:$0x9], $0x8000, $0x38;
	[tilespmem:$0x1E000] =	vst v63  }
0x24: {  	_ =	swait.ge [sflag:s22], $0xA000  }
0x25: {  	[sflag:s22] =	ssyncset.done $0x0  }
0x26: {  	s23 =	sadd.s32 s24, s23;
	[sflag:s22] =	ssyncadd.s32 $0xFFFF6000  }
0x27: {  	[hbm4b:s23+s2] =	stream.linear.scatter [tilespmem:s11], [sflag:$0xA], $0xA000, $0x38;
	[tilespmem:$0x1E000] =	vst v63  }
0x28: {  	_ =	swait.ge [sflag:s12], $0x2000  }
0x29: {  	[sflag:s12] =	ssyncset.done $0x0  }
0x2a: {  	s24 =	sadd.s32 s24, s25;
	s25 =	simm.s32 $0x7;
	[sflag:s12] =	ssyncadd.s32 $0xFFFFE000  }
0x2b: {  	[hbm4b:s24+s2] =	stream.linear.scatter [tilespmem:s2], [sflag:$0x6], $0x2000, $0x38;
	[tilespmem:$0x1E000] =	vst v63  }
0x2c: {  	_ =	swait.ge [sflag:s25], $0x4000  }
0x2d: {  	[sflag:s25] =	ssyncset.done $0x0  }
0x2e: {  	s26 =	simm.s32 $0x8;
	[sflag:s25] =	ssyncadd.s32 $0xFFFFC000  }
0x2f: {  	_ =	swait.ge [sflag:s26], $0x6000  }
0x30: {  	s30 =	ssub.s32 $0x2, s29;
	[sflag:s26] =	ssyncset.done $0x0  }
0x31: {  	s28 =	simm.s32 $0x9;
	s31 =	sshrl.u32 s30, $0x1;
	[sflag:s26] =	ssyncadd.s32 $0xFFFFA000  }
0x32: {  	s30 =	ssub.s32 s30, s31;
	_ =	swait.ge [sflag:s28], $0x8000  }
0x33: {  	s30 =	smax.u32 s30, $0x1;
	[sflag:s28] =	ssyncset.done $0x0  }
0x34: {  	s29 =	simm.s32 $0xA;
	p0 =	sne.s32 s30, $0x1;
	[sflag:s28] =	ssyncadd.s32 $0xFFFF8000  }
.Ltmp0:
0x35: {  	_ =	swait.ge [sflag:s29], $0xA000;
	(pc) =	sbr.rel @!p0 .LBB2_2-.Ltmp0, $4  }
0x36: {  	[sflag:s29] =	ssyncset.done $0x0  }
0x37: {  	[sflag:s29] =	ssyncadd.s32 $0xFFFF6000  }
0x38: {  	_ =	swait.ge [sflag:s15], $0x2000  }
0x39: {  	s30 =	sadd.s32 $0xFFFFFFFF, s30;
	[sflag:s15] =	ssyncset.done $0x0  }
.LBB2_1:
0x3a: {  	p0 =	sne.s32 s30, $0x1;
	s30 =	sadd.s32 $0xFFFFFFFF, s30;
	[sflag:s15] =	ssyncadd.s32 $0xFFFFE000  }
0x3b: {  	[tilespmem:s2], [sflag:$0x1] =	stream.linear.gather [hbm4b:s3+s2], $0x2000, $0x38;
	[tilespmem:$0x1E000] =	vst v63  }
0x3c: {  	_ = 	snop  }
0x3d: {  	[tilespmem:s5], [sflag:$0x2] =	stream.linear.gather [hbm4b:s4+s2], $0x4000, $0x38;
	[tilespmem:$0x1E000] =	vst v63  }
0x3e: {  	_ = 	snop  }
0x3f: {  	[tilespmem:s7], [sflag:$0x3] =	stream.linear.gather [hbm4b:s6+s2], $0x6000, $0x38;
	[tilespmem:$0x1E000] =	vst v63  }
0x40: {  	_ = 	snop  }
0x41: {  	[tilespmem:s9], [sflag:$0x4] =	stream.linear.gather [hbm4b:s8+s2], $0x8000, $0x38;
	[tilespmem:$0x1E000] =	vst v63  }
0x42: {  	_ = 	snop  }
0x43: {  	[tilespmem:s11], [sflag:$0x5] =	stream.linear.gather [hbm4b:s10+s2], $0xA000, $0x38;
	[tilespmem:$0x1E000] =	vst v63  }
0x44: {  	_ =	swait.ge [sflag:s12], $0x2000  }
0x45: {  	[sflag:s12] =	ssyncset.done $0x0  }
0x46: {  	[sflag:s12] =	ssyncadd.s32 $0xFFFFE000  }
0x47: {  	[hbm4b:s13+s2] =	stream.linear.scatter [tilespmem:s2], [sflag:$0x6], $0x2000, $0x38;
	[tilespmem:$0x1E000] =	vst v63  }
0x48: {  	_ =	swait.ge [sflag:s14], $0x4000  }
0x49: {  	[sflag:s14] =	ssyncset.done $0x0  }
0x4a: {  	[sflag:s14] =	ssyncadd.s32 $0xFFFFC000  }
0x4b: {  	[hbm4b:s16+s2] =	stream.linear.scatter [tilespmem:s5], [sflag:$0x7], $0x4000, $0x38;
	[tilespmem:$0x1E000] =	vst v63  }
0x4c: {  	_ =	swait.ge [sflag:s15], $0x2000  }
0x4d: {  	[sflag:s15] =	ssyncset.done $0x0  }
0x4e: {  	[sflag:s15] =	ssyncadd.s32 $0xFFFFE000  }
0x4f: {  	[tilespmem:s2], [sflag:$0x1] =	stream.linear.gather [hbm4b:s17+s2], $0x2000, $0x38;
	[tilespmem:$0x1E000] =	vst v63  }
0x50: {  	_ =	swait.ge [sflag:s18], $0x6000  }
0x51: {  	[sflag:s18] =	ssyncset.done $0x0  }
0x52: {  	[sflag:s18] =	ssyncadd.s32 $0xFFFFA000  }
0x53: {  	[hbm4b:s19+s2] =	stream.linear.scatter [tilespmem:s7], [sflag:$0x8], $0x6000, $0x38;
	[tilespmem:$0x1E000] =	vst v63  }
0x54: {  	_ =	swait.ge [sflag:s20], $0x8000  }
0x55: {  	[sflag:s20] =	ssyncset.done $0x0  }
0x56: {  	[sflag:s20] =	ssyncadd.s32 $0xFFFF8000  }
0x57: {  	[hbm4b:s21+s2] =	stream.linear.scatter [tilespmem:s9], [sflag:$0x9], $0x8000, $0x38;
	[tilespmem:$0x1E000] =	vst v63  }
0x58: {  	_ =	swait.ge [sflag:s22], $0xA000  }
0x59: {  	[sflag:s22] =	ssyncset.done $0x0  }
0x5a: {  	[sflag:s22] =	ssyncadd.s32 $0xFFFF6000  }
0x5b: {  	[hbm4b:s23+s2] =	stream.linear.scatter [tilespmem:s11], [sflag:$0xA], $0xA000, $0x38;
	[tilespmem:$0x1E000] =	vst v63  }
0x5c: {  	_ =	swait.ge [sflag:s12], $0x2000  }
0x5d: {  	[sflag:s12] =	ssyncset.done $0x0  }
0x5e: {  	[sflag:s12] =	ssyncadd.s32 $0xFFFFE000  }
0x5f: {  	[hbm4b:s24+s2] =	stream.linear.scatter [tilespmem:s2], [sflag:$0x6], $0x2000, $0x38;
	[tilespmem:$0x1E000] =	vst v63  }
0x60: {  	_ =	swait.ge [sflag:s25], $0x4000  }
0x61: {  	[sflag:s25] =	ssyncset.done $0x0  }
0x62: {  	[sflag:s25] =	ssyncadd.s32 $0xFFFFC000  }
0x63: {  	_ =	swait.ge [sflag:s26], $0x6000  }
0x64: {  	[sflag:s26] =	ssyncset.done $0x0  }
0x65: {  	[sflag:s26] =	ssyncadd.s32 $0xFFFFA000  }
0x66: {  	_ =	swait.ge [sflag:s28], $0x8000  }
0x67: {  	[sflag:s28] =	ssyncset.done $0x0  }
0x68: {  	[sflag:s28] =	ssyncadd.s32 $0xFFFF8000  }
.Ltmp1:
0x69: {  	_ =	swait.ge [sflag:s29], $0xA000;
	(pc) =	sbr.rel @p0 .LBB2_1-.Ltmp1, $4  }
0x6a: {  	[sflag:s29] =	ssyncset.done $0x0  }
0x6b: {  	[sflag:s29] =	ssyncadd.s32 $0xFFFF6000  }
0x6c: {  	_ =	swait.ge [sflag:s15], $0x2000  }
0x6d: {  	[sflag:s15] =	ssyncset.done $0x0  }
.LBB2_2:
0x6e: {  	[sflag:s15] =	ssyncadd.s32 $0xFFFFE000  }
0x6f: {  	_ =	sfence.sel $0x180000  }
0x70: {  	[bflag:$0x0] =	sbarrier.arrive $0xFFFF  }
0x71: {  	p0 =	sne.s32 s1, $0x0;
	_ =	strace $0x90000047  }
0x72: {  	s0 =	sadd.s32 @!p0 $0x100000, s0;
	[bflag:$0x2] =	sbarrier.arrive $0xFFFF  }
0x73: {  	[sflag:s0] =	ssyncadd.tile.s32 @!p0 $0x1;
	_ =	shalt  }
.Lfunc_end2:
_tile_overlayer_lowered:
.L_overlay_start_2:
0x74: {  	(tag) =	ssettag $0x2  }
0x75: {  	s0 =	rddreg [dreg:$0x0];
	s2 =	stileid.u32  }
0x76: {  	s1 =	rddreg [dreg:$0x1];
	p0 =	sne.s32 s2, $0x0  }
0x77: {  	s3 =	rddreg [dreg:$0x2];
	[bflag:$0x3] =	sbarrier.arrive $0xFFFF;
	s2 =	simm.s32 @!p0 $0x1C0B  }
0x78: {  	[timem:s3], [sflag:s2] =	dma.local @!p0 [hbm:s0], s1  }
0x79: {  	s0 =	simm.s32 @!p0 $0xB  }
0x7a: {  	_ =	swait.ge @!p0 [sflag:s0], s1  }
0x7b: {  	s1 =	ssub.s32 @!p0 $0x0, s1;
	[sflag:s0] =	ssyncset.done @!p0 $0x0  }
0x7c: {  	[sflag:s0] =	ssyncadd.s32 @!p0 s1  }
0x7d: {  	[bflag:$0x3] =	sbarrier.arrive $0xFFFF  }
0x7e: {  	_ =	shalt  }

</sc_bundles>
